<compile_context>
chip_gen: v7x
topology: tpu7x:2x2x1
jax: 0.10.2.dev20260603
libtpu: 0.0.44.dev20260713+nightly
codegen_flags: <defaults>
</compile_context>

<pallas_src>
import functools

import jax
import jax.numpy as jnp
from jax import lax
from jax.experimental import pallas as pl
from jax.experimental.pallas import tpu as pltpu
from jax.experimental.pallas import tpu_sc as plsc

R_REAL_C = 0.5
R_FAKE_C = 0.2
ALPHA_C = 20.0

N = 16384
L = 16
NT = 16
PER_T = N // NT
CHUNKS = PER_T // L


def _softplus_vec(v):
    a = jnp.abs(v)
    u = jnp.exp(-a)
    z = u / (2.0 + u)
    z2 = z * z
    l1p = 2.0 * z * (1.0 + z2 * (1.0 / 3.0 + z2 * (0.2 + z2 * (1.0 / 7.0 + z2 * (1.0 / 9.0)))))
    return jnp.maximum(v, 0.0) + l1p


_mesh = plsc.VectorSubcoreMesh(
    core_axis_name="c", subcore_axis_name="s", num_cores=1
)


@functools.partial(
    pl.kernel,
    out_type=jax.ShapeDtypeStruct((L,), jnp.float32),
    mesh=_mesh,
    scratch_types=[
        pltpu.VMEM((PER_T,), jnp.float32),
        pltpu.VMEM((PER_T,), jnp.int32),
        pltpu.VMEM((L,), jnp.float32),
        pltpu.VMEM_SHARED((NT * L,), jnp.float32),
        pltpu.VMEM((NT * L,), jnp.float32),
    ],
)
def _oc_loss_kernel(x_hbm, lab_hbm, out_hbm, xv, lv, pv, shared, gbuf):
    sid = lax.axis_index("s")
    base = sid * PER_T
    pltpu.sync_copy(x_hbm.at[pl.ds(base, PER_T)], xv)
    pltpu.sync_copy(lab_hbm.at[pl.ds(base, PER_T)], lv)

    def body(i, acc):
        xs = xv[pl.ds(i * L, L)]
        lb = lv[pl.ds(i * L, L)]
        out = jnp.where(lb == 0, R_REAL_C - xs,
                        jnp.where(lb == 1, xs - R_FAKE_C, xs))
        return acc + _softplus_vec(ALPHA_C * out)

    acc = lax.fori_loop(0, CHUNKS, body, jnp.zeros((L,), jnp.float32))
    pv[...] = acc
    pltpu.sync_copy(pv, shared.at[pl.ds(sid * L, L)])
    plsc.subcore_barrier()

    @pl.when(sid == 0)
    def _():
        pltpu.sync_copy(shared, gbuf)
        tot = gbuf[pl.ds(0, L)]
        for r in range(1, NT):
            tot = tot + gbuf[pl.ds(r * L, L)]
        total = tot[0]
        for i in range(1, L):
            total = total + tot[i]
        pv[...] = jnp.broadcast_to(total * (1.0 / N), (L,))
        pltpu.sync_copy(pv, out_hbm)


def kernel(x, labels):
    xf = jnp.reshape(x, (N,))
    out = _oc_loss_kernel(xf, labels)
    return out[0]

# --- scband reference (transcript-rebuilt; emitter-appended) ---
"""Pipeline reference for scband-ocsoftmax-48146583388922 (READ-ONLY COPY).

The authoritative reference and input builder live on the scoring server;
editing this copy changes nothing except your own understanding.
"""

import jax, jax.numpy as jnp
import numpy as np

R_REAL = 0.5
R_FAKE = 0.2
ALPHA = 20.0


def setup_inputs(seed: int = 0) -> dict:
    key = jax.random.key(seed)
    k1, k2 = jax.random.split(key)
    x = jax.random.normal(k1, (16384, 1), dtype=jnp.float32)
    labels = jax.random.randint(k2, (16384,), 0, 2, dtype=jnp.int32)
    return {"x": x, "labels": labels}


def reference(x, labels):
    # x: (batch, 1) -> squeeze to (batch,)
    xs = jnp.squeeze(x)
    # labels==0 (real): r_real - x ; labels==1 (fake): x - r_fake ; else unchanged
    out = jnp.where(labels == 0, R_REAL - xs,
                    jnp.where(labels == 1, xs - R_FAKE, xs))
    loss = jnp.mean(jax.nn.softplus(ALPHA * out))
    return loss

if __name__ == "__main__":
    import jax
    _d = setup_inputs()
    print(jax.jit(kernel)(*tuple(_d.values())))

</pallas_src>

<mosaic_0001>
#map = affine_map<(d0, d1) -> (0)>
module attributes {stable_mosaic.version = 14 : i64} {
  func.func @_oc_loss_kernel(%arg0: i32, %arg1: i32, %arg2: memref<16384xf32, #tpu.memory_space<hbm>>, %arg3: memref<16384xi32, #tpu.memory_space<hbm>>, %arg4: memref<16xf32, #tpu.memory_space<hbm>>, %arg5: memref<1024xf32, #tpu.memory_space<vmem>>, %arg6: memref<1024xi32, #tpu.memory_space<vmem>>, %arg7: memref<16xf32, #tpu.memory_space<vmem>>, %arg8: memref<256xf32, #tpu.memory_space<vmem_shared>>, %arg9: memref<256xf32, #tpu.memory_space<vmem>>) attributes {dimension_semantics = [#tpu.dimension_semantics<core_parallel>, #tpu.dimension_semantics<subcore_parallel>], iteration_bounds = array<i64: 1, 16>, scalar_prefetch = 0 : i64, scratch_operands = 5 : i64, tpu.core_type = #tpu.core_type<sc_vector_subcore>, window_params = [{transform_indices = #map}, {transform_indices = #map}, {transform_indices = #map}]} {
    %mul3A = arith.constant 1024 : i32
    %mul3A_0 = arith.muli %arg1, %mul3A : i32
    "tpu.region"() ({
      %run_scoped3A = tpu.sem_alloc : memref<!tpu.dma_semaphore, #tpu.memory_space<semaphore_mem>>
      %dma_start3A = tpu.memref_slice %arg2[%mul3A_0] : memref<16384xf32, #tpu.memory_space<hbm>> -> memref<1024xf32, #tpu.memory_space<hbm>>
      %dma_start3A_14 = tpu.memref_slice %arg2[%mul3A_0] : memref<16384xf32, #tpu.memory_space<hbm>> -> memref<1024xf32, #tpu.memory_space<hbm>>
      tpu.enqueue_dma source(%dma_start3A_14 : memref<1024xf32, #tpu.memory_space<hbm>>) target(%arg5 : memref<1024xf32, #tpu.memory_space<vmem>>) target_semaphore(%run_scoped3A : memref<!tpu.dma_semaphore, #tpu.memory_space<semaphore_mem>>)
      %dma_wait3A = tpu.memref_slice %arg2[%mul3A_0] : memref<16384xf32, #tpu.memory_space<hbm>> -> memref<1024xf32, #tpu.memory_space<hbm>>
      %dma_wait3A_15 = tpu.memref_slice %arg2[%mul3A_0] : memref<16384xf32, #tpu.memory_space<hbm>> -> memref<1024xf32, #tpu.memory_space<hbm>>
      tpu.wait_dma2 semaphore(%run_scoped3A : memref<!tpu.dma_semaphore, #tpu.memory_space<semaphore_mem>>) src(%dma_wait3A_15 : memref<1024xf32, #tpu.memory_space<hbm>>) dst(%arg5 : memref<1024xf32, #tpu.memory_space<vmem>>)
      tpu.yield
    }) : () -> ()
    "tpu.region"() ({
      %run_scoped3A = tpu.sem_alloc : memref<!tpu.dma_semaphore, #tpu.memory_space<semaphore_mem>>
      %dma_start3A = tpu.memref_slice %arg3[%mul3A_0] : memref<16384xi32, #tpu.memory_space<hbm>> -> memref<1024xi32, #tpu.memory_space<hbm>>
      %dma_start3A_14 = tpu.memref_slice %arg3[%mul3A_0] : memref<16384xi32, #tpu.memory_space<hbm>> -> memref<1024xi32, #tpu.memory_space<hbm>>
      tpu.enqueue_dma source(%dma_start3A_14 : memref<1024xi32, #tpu.memory_space<hbm>>) target(%arg6 : memref<1024xi32, #tpu.memory_space<vmem>>) target_semaphore(%run_scoped3A : memref<!tpu.dma_semaphore, #tpu.memory_space<semaphore_mem>>)
      %dma_wait3A = tpu.memref_slice %arg3[%mul3A_0] : memref<16384xi32, #tpu.memory_space<hbm>> -> memref<1024xi32, #tpu.memory_space<hbm>>
      %dma_wait3A_15 = tpu.memref_slice %arg3[%mul3A_0] : memref<16384xi32, #tpu.memory_space<hbm>> -> memref<1024xi32, #tpu.memory_space<hbm>>
      tpu.wait_dma2 semaphore(%run_scoped3A : memref<!tpu.dma_semaphore, #tpu.memory_space<semaphore_mem>>) src(%dma_wait3A_15 : memref<1024xi32, #tpu.memory_space<hbm>>) dst(%arg6 : memref<1024xi32, #tpu.memory_space<vmem>>)
      tpu.yield
    }) : () -> ()
    %broadcast_in_dim3A = arith.constant 0.000000e+00 : f32
    %broadcast_in_dim3A_1 = vector.broadcast %broadcast_in_dim3A : f32 to vector<16xf32>
    %scan3A = arith.constant 0 : i32
    %scan3A_2 = arith.constant 64 : i32
    %scan3A_3 = arith.addi %scan3A, %scan3A_2 : i32
    %scan3A_4 = arith.constant 1 : i32
    %scan3A_5 = scf.for %scan3A_14 = %scan3A to %scan3A_3 step %scan3A_4 iter_args(%scan3A_15 = %broadcast_in_dim3A_1) -> (vector<16xf32>)  : i32 {
      %mul3A_16 = arith.constant 16 : i32
      %mul3A_17 = arith.muli %scan3A_14, %mul3A_16 : i32
      %get3A = arith.index_cast %mul3A_17 : i32 to index
      %get3A_18 = tpu.vector_load %arg5[%get3A] {strides = array<i32>} : memref<1024xf32, #tpu.memory_space<vmem>>, vector<16xf32>,
      %get3A_19 = vector.shape_cast %get3A_18 : vector<16xf32> to vector<16xf32>
      %mul3A_20 = arith.constant 16 : i32
      %mul3A_21 = arith.muli %scan3A_14, %mul3A_20 : i32
      %get3A_22 = arith.index_cast %mul3A_21 : i32 to index
      %get3A_23 = tpu.vector_load %arg6[%get3A_22] {strides = array<i32>} : memref<1024xi32, #tpu.memory_space<vmem>>, vector<16xi32>,
      %get3A_24 = vector.shape_cast %get3A_23 : vector<16xi32> to vector<16xi32>
      %eq3A_25 = arith.constant 0 : i32
      %eq3A_26 = vector.broadcast %eq3A_25 : i32 to vector<16xi32>
      %eq3A_27 = arith.cmpi eq, %get3A_24, %eq3A_26 : vector<16xi32>
      %sub3A = arith.constant 5.000000e-01 : f32
      %sub3A_28 = vector.broadcast %sub3A : f32 to vector<16xf32>
      %sub3A_29 = arith.subf %sub3A_28, %get3A_19 : vector<16xf32>
      %eq3A_30 = arith.constant 1 : i32
      %eq3A_31 = vector.broadcast %eq3A_30 : i32 to vector<16xi32>
      %eq3A_32 = arith.cmpi eq, %get3A_24, %eq3A_31 : vector<16xi32>
      %sub3A_33 = arith.constant 2.000000e-01 : f32
      %sub3A_34 = vector.broadcast %sub3A_33 : f32 to vector<16xf32>
      %sub3A_35 = arith.subf %get3A_19, %sub3A_34 : vector<16xf32>
      %select_n3A = arith.select %eq3A_32, %sub3A_35, %get3A_19 : vector<16xi1>, vector<16xf32>
      %select_n3A_36 = arith.select %eq3A_27, %sub3A_29, %select_n3A : vector<16xi1>, vector<16xf32>
      %mul3A_37 = arith.constant 2.000000e+01 : f32
      %mul3A_38 = vector.broadcast %mul3A_37 : f32 to vector<16xf32>
      %mul3A_39 = arith.mulf %mul3A_38, %select_n3A_36 : vector<16xf32>
      %abs3A = math.absf %mul3A_39 : vector<16xf32>
      %neg3A = arith.constant 0.000000e+00 : f32
      %neg3A_40 = vector.broadcast %neg3A : f32 to vector<16xf32>
      %neg3A_41 = arith.subf %neg3A_40, %abs3A : vector<16xf32>
      %exp3A = math.exp %neg3A_41 : vector<16xf32>
      %add3A = arith.constant 2.000000e+00 : f32
      %add3A_42 = vector.broadcast %add3A : f32 to vector<16xf32>
      %add3A_43 = arith.addf %add3A_42, %exp3A : vector<16xf32>
      %div3A = arith.divf %exp3A, %add3A_43 : vector<16xf32>
      %mul3A_44 = arith.mulf %div3A, %div3A : vector<16xf32>
      %mul3A_45 = arith.constant 2.000000e+00 : f32
      %mul3A_46 = vector.broadcast %mul3A_45 : f32 to vector<16xf32>
      %mul3A_47 = arith.mulf %mul3A_46, %div3A : vector<16xf32>
      %mul3A_48 = arith.constant 0.111111112 : f32
      %mul3A_49 = vector.broadcast %mul3A_48 : f32 to vector<16xf32>
      %mul3A_50 = arith.mulf %mul3A_44, %mul3A_49 : vector<16xf32>
      %add3A_51 = arith.constant 0.142857149 : f32
      %add3A_52 = vector.broadcast %add3A_51 : f32 to vector<16xf32>
      %add3A_53 = arith.addf %add3A_52, %mul3A_50 : vector<16xf32>
      %mul3A_54 = arith.mulf %mul3A_44, %add3A_53 : vector<16xf32>
      %add3A_55 = arith.constant 2.000000e-01 : f32
      %add3A_56 = vector.broadcast %add3A_55 : f32 to vector<16xf32>
      %add3A_57 = arith.addf %add3A_56, %mul3A_54 : vector<16xf32>
      %mul3A_58 = arith.mulf %mul3A_44, %add3A_57 : vector<16xf32>
      %add3A_59 = arith.constant 0.333333343 : f32
      %add3A_60 = vector.broadcast %add3A_59 : f32 to vector<16xf32>
      %add3A_61 = arith.addf %add3A_60, %mul3A_58 : vector<16xf32>
      %mul3A_62 = arith.mulf %mul3A_44, %add3A_61 : vector<16xf32>
      %add3A_63 = arith.constant 1.000000e+00 : f32
      %add3A_64 = vector.broadcast %add3A_63 : f32 to vector<16xf32>
      %add3A_65 = arith.addf %add3A_64, %mul3A_62 : vector<16xf32>
      %mul3A_66 = arith.mulf %mul3A_47, %add3A_65 : vector<16xf32>
      %max3A = arith.constant 0.000000e+00 : f32
      %max3A_67 = vector.broadcast %max3A : f32 to vector<16xf32>
      %max3A_68 = arith.maximumf %mul3A_39, %max3A_67 : vector<16xf32>
      %add3A_69 = arith.addf %max3A_68, %mul3A_66 : vector<16xf32>
      %add3A_70 = arith.addf %scan3A_15, %add3A_69 : vector<16xf32>
      scf.yield %add3A_70 : vector<16xf32>
    }
    %scan3A_6 = arith.constant 64 : i32
    %swap3A = arith.constant 0 : index
    %swap3A_7 = tpu.vector_load %arg7[%swap3A] {strides = array<i32>} : memref<16xf32, #tpu.memory_space<vmem>>, vector<16xf32>,
    %swap3A_8 = vector.shape_cast %swap3A_7 : vector<16xf32> to vector<16xf32>
    %swap3A_9 = vector.shape_cast %scan3A_5 : vector<16xf32> to vector<16xf32>
    tpu.vector_store %arg7[%swap3A], %swap3A_9 {strides = array<i32>} : memref<16xf32, #tpu.memory_space<vmem>>, vector<16xf32>,
    %mul3A_10 = arith.constant 16 : i32
    %mul3A_11 = arith.muli %arg1, %mul3A_10 : i32
    "tpu.region"() ({
      %run_scoped3A = tpu.sem_alloc : memref<!tpu.dma_semaphore, #tpu.memory_space<semaphore_mem>>
      %dma_start3A = tpu.memref_slice %arg8[%mul3A_11] : memref<256xf32, #tpu.memory_space<vmem_shared>> -> memref<16xf32, #tpu.memory_space<vmem_shared>>
      %dma_start3A_14 = tpu.memref_slice %arg8[%mul3A_11] : memref<256xf32, #tpu.memory_space<vmem_shared>> -> memref<16xf32, #tpu.memory_space<vmem_shared>>
      tpu.enqueue_dma source(%arg7 : memref<16xf32, #tpu.memory_space<vmem>>) target(%dma_start3A_14 : memref<16xf32, #tpu.memory_space<vmem_shared>>) target_semaphore(%run_scoped3A : memref<!tpu.dma_semaphore, #tpu.memory_space<semaphore_mem>>)
      %dma_wait3A = tpu.memref_slice %arg8[%mul3A_11] : memref<256xf32, #tpu.memory_space<vmem_shared>> -> memref<16xf32, #tpu.memory_space<vmem_shared>>
      %dma_wait3A_15 = tpu.memref_slice %arg8[%mul3A_11] : memref<256xf32, #tpu.memory_space<vmem_shared>> -> memref<16xf32, #tpu.memory_space<vmem_shared>>
      tpu.wait_dma2 semaphore(%run_scoped3A : memref<!tpu.dma_semaphore, #tpu.memory_space<semaphore_mem>>) src(%arg7 : memref<16xf32, #tpu.memory_space<vmem>>) dst(%dma_wait3A_15 : memref<16xf32, #tpu.memory_space<vmem_shared>>)
      tpu.yield
    }) : () -> ()
    %barrier3A = arith.constant 0 : index
    tpu.barrier barrier_id(%barrier3A)
    %eq3A = arith.constant 0 : i32
    %eq3A_12 = arith.cmpi eq, %arg1, %eq3A : i32
    %convert_element_type3A = arith.extui %eq3A_12 : i1 to i32
    %cond3A = arith.constant 0 : i32
    %cond3A_13 = arith.cmpi ne, %convert_element_type3A, %cond3A : i32
    scf.if %cond3A_13 {
      "tpu.region"() ({
        %run_scoped3A = tpu.sem_alloc : memref<!tpu.dma_semaphore, #tpu.memory_space<semaphore_mem>>
        tpu.enqueue_dma source(%arg8 : memref<256xf32, #tpu.memory_space<vmem_shared>>) target(%arg9 : memref<256xf32, #tpu.memory_space<vmem>>) target_semaphore(%run_scoped3A : memref<!tpu.dma_semaphore, #tpu.memory_space<semaphore_mem>>)
        tpu.wait_dma2 semaphore(%run_scoped3A : memref<!tpu.dma_semaphore, #tpu.memory_space<semaphore_mem>>) src(%arg8 : memref<256xf32, #tpu.memory_space<vmem_shared>>) dst(%arg9 : memref<256xf32, #tpu.memory_space<vmem>>)
        tpu.yield
      }) : () -> ()
      %get3A = arith.constant 0 : index
      %get3A_14 = tpu.vector_load %arg9[%get3A] {strides = array<i32>} : memref<256xf32, #tpu.memory_space<vmem>>, vector<16xf32>,
      %get3A_15 = vector.shape_cast %get3A_14 : vector<16xf32> to vector<16xf32>
      %get3A_16 = arith.constant 16 : index
      %get3A_17 = tpu.vector_load %arg9[%get3A_16] {strides = array<i32>} : memref<256xf32, #tpu.memory_space<vmem>>, vector<16xf32>,
      %get3A_18 = vector.shape_cast %get3A_17 : vector<16xf32> to vector<16xf32>
      %add3A = arith.addf %get3A_15, %get3A_18 : vector<16xf32>
      %get3A_19 = arith.constant 32 : index
      %get3A_20 = tpu.vector_load %arg9[%get3A_19] {strides = array<i32>} : memref<256xf32, #tpu.memory_space<vmem>>, vector<16xf32>,
      %get3A_21 = vector.shape_cast %get3A_20 : vector<16xf32> to vector<16xf32>
      %add3A_22 = arith.addf %add3A, %get3A_21 : vector<16xf32>
      %get3A_23 = arith.constant 48 : index
      %get3A_24 = tpu.vector_load %arg9[%get3A_23] {strides = array<i32>} : memref<256xf32, #tpu.memory_space<vmem>>, vector<16xf32>,
      %get3A_25 = vector.shape_cast %get3A_24 : vector<16xf32> to vector<16xf32>
      %add3A_26 = arith.addf %add3A_22, %get3A_25 : vector<16xf32>
      %get3A_27 = arith.constant 64 : index
      %get3A_28 = tpu.vector_load %arg9[%get3A_27] {strides = array<i32>} : memref<256xf32, #tpu.memory_space<vmem>>, vector<16xf32>,
      %get3A_29 = vector.shape_cast %get3A_28 : vector<16xf32> to vector<16xf32>
      %add3A_30 = arith.addf %add3A_26, %get3A_29 : vector<16xf32>
      %get3A_31 = arith.constant 80 : index
      %get3A_32 = tpu.vector_load %arg9[%get3A_31] {strides = array<i32>} : memref<256xf32, #tpu.memory_space<vmem>>, vector<16xf32>,
      %get3A_33 = vector.shape_cast %get3A_32 : vector<16xf32> to vector<16xf32>
      %add3A_34 = arith.addf %add3A_30, %get3A_33 : vector<16xf32>
      %get3A_35 = arith.constant 96 : index
      %get3A_36 = tpu.vector_load %arg9[%get3A_35] {strides = array<i32>} : memref<256xf32, #tpu.memory_space<vmem>>, vector<16xf32>,
      %get3A_37 = vector.shape_cast %get3A_36 : vector<16xf32> to vector<16xf32>
      %add3A_38 = arith.addf %add3A_34, %get3A_37 : vector<16xf32>
      %get3A_39 = arith.constant 112 : index
      %get3A_40 = tpu.vector_load %arg9[%get3A_39] {strides = array<i32>} : memref<256xf32, #tpu.memory_space<vmem>>, vector<16xf32>,
      %get3A_41 = vector.shape_cast %get3A_40 : vector<16xf32> to vector<16xf32>
      %add3A_42 = arith.addf %add3A_38, %get3A_41 : vector<16xf32>
      %get3A_43 = arith.constant 128 : index
      %get3A_44 = tpu.vector_load %arg9[%get3A_43] {strides = array<i32>} : memref<256xf32, #tpu.memory_space<vmem>>, vector<16xf32>,
      %get3A_45 = vector.shape_cast %get3A_44 : vector<16xf32> to vector<16xf32>
      %add3A_46 = arith.addf %add3A_42, %get3A_45 : vector<16xf32>
      %get3A_47 = arith.constant 144 : index
      %get3A_48 = tpu.vector_load %arg9[%get3A_47] {strides = array<i32>} : memref<256xf32, #tpu.memory_space<vmem>>, vector<16xf32>,
      %get3A_49 = vector.shape_cast %get3A_48 : vector<16xf32> to vector<16xf32>
      %add3A_50 = arith.addf %add3A_46, %get3A_49 : vector<16xf32>
      %get3A_51 = arith.constant 160 : index
      %get3A_52 = tpu.vector_load %arg9[%get3A_51] {strides = array<i32>} : memref<256xf32, #tpu.memory_space<vmem>>, vector<16xf32>,
      %get3A_53 = vector.shape_cast %get3A_52 : vector<16xf32> to vector<16xf32>
      %add3A_54 = arith.addf %add3A_50, %get3A_53 : vector<16xf32>
      %get3A_55 = arith.constant 176 : index
      %get3A_56 = tpu.vector_load %arg9[%get3A_55] {strides = array<i32>} : memref<256xf32, #tpu.memory_space<vmem>>, vector<16xf32>,
      %get3A_57 = vector.shape_cast %get3A_56 : vector<16xf32> to vector<16xf32>
      %add3A_58 = arith.addf %add3A_54, %get3A_57 : vector<16xf32>
      %get3A_59 = arith.constant 192 : index
      %get3A_60 = tpu.vector_load %arg9[%get3A_59] {strides = array<i32>} : memref<256xf32, #tpu.memory_space<vmem>>, vector<16xf32>,
      %get3A_61 = vector.shape_cast %get3A_60 : vector<16xf32> to vector<16xf32>
      %add3A_62 = arith.addf %add3A_58, %get3A_61 : vector<16xf32>
      %get3A_63 = arith.constant 208 : index
      %get3A_64 = tpu.vector_load %arg9[%get3A_63] {strides = array<i32>} : memref<256xf32, #tpu.memory_space<vmem>>, vector<16xf32>,
      %get3A_65 = vector.shape_cast %get3A_64 : vector<16xf32> to vector<16xf32>
      %add3A_66 = arith.addf %add3A_62, %get3A_65 : vector<16xf32>
      %get3A_67 = arith.constant 224 : index
      %get3A_68 = tpu.vector_load %arg9[%get3A_67] {strides = array<i32>} : memref<256xf32, #tpu.memory_space<vmem>>, vector<16xf32>,
      %get3A_69 = vector.shape_cast %get3A_68 : vector<16xf32> to vector<16xf32>
      %add3A_70 = arith.addf %add3A_66, %get3A_69 : vector<16xf32>
      %get3A_71 = arith.constant 240 : index
      %get3A_72 = tpu.vector_load %arg9[%get3A_71] {strides = array<i32>} : memref<256xf32, #tpu.memory_space<vmem>>, vector<16xf32>,
      %get3A_73 = vector.shape_cast %get3A_72 : vector<16xf32> to vector<16xf32>
      %add3A_74 = arith.addf %add3A_70, %get3A_73 : vector<16xf32>
      %slice3A = vector.extract_strided_slice %add3A_74 {offsets = [0], sizes = [1], strides = [1]} : vector<16xf32> to vector<1xf32>
      %squeeze3A = vector.extract %slice3A[0] : f32 from vector<1xf32>
      %slice3A_75 = vector.extract_strided_slice %add3A_74 {offsets = [1], sizes = [1], strides = [1]} : vector<16xf32> to vector<1xf32>
      %squeeze3A_76 = vector.extract %slice3A_75[0] : f32 from vector<1xf32>
      %add3A_77 = arith.addf %squeeze3A, %squeeze3A_76 : f32
      %slice3A_78 = vector.extract_strided_slice %add3A_74 {offsets = [2], sizes = [1], strides = [1]} : vector<16xf32> to vector<1xf32>
      %squeeze3A_79 = vector.extract %slice3A_78[0] : f32 from vector<1xf32>
      %add3A_80 = arith.addf %add3A_77, %squeeze3A_79 : f32
      %slice3A_81 = vector.extract_strided_slice %add3A_74 {offsets = [3], sizes = [1], strides = [1]} : vector<16xf32> to vector<1xf32>
      %squeeze3A_82 = vector.extract %slice3A_81[0] : f32 from vector<1xf32>
      %add3A_83 = arith.addf %add3A_80, %squeeze3A_82 : f32
      %slice3A_84 = vector.extract_strided_slice %add3A_74 {offsets = [4], sizes = [1], strides = [1]} : vector<16xf32> to vector<1xf32>
      %squeeze3A_85 = vector.extract %slice3A_84[0] : f32 from vector<1xf32>
      %add3A_86 = arith.addf %add3A_83, %squeeze3A_85 : f32
      %slice3A_87 = vector.extract_strided_slice %add3A_74 {offsets = [5], sizes = [1], strides = [1]} : vector<16xf32> to vector<1xf32>
      %squeeze3A_88 = vector.extract %slice3A_87[0] : f32 from vector<1xf32>
      %add3A_89 = arith.addf %add3A_86, %squeeze3A_88 : f32
      %slice3A_90 = vector.extract_strided_slice %add3A_74 {offsets = [6], sizes = [1], strides = [1]} : vector<16xf32> to vector<1xf32>
      %squeeze3A_91 = vector.extract %slice3A_90[0] : f32 from vector<1xf32>
      %add3A_92 = arith.addf %add3A_89, %squeeze3A_91 : f32
      %slice3A_93 = vector.extract_strided_slice %add3A_74 {offsets = [7], sizes = [1], strides = [1]} : vector<16xf32> to vector<1xf32>
      %squeeze3A_94 = vector.extract %slice3A_93[0] : f32 from vector<1xf32>
      %add3A_95 = arith.addf %add3A_92, %squeeze3A_94 : f32
      %slice3A_96 = vector.extract_strided_slice %add3A_74 {offsets = [8], sizes = [1], strides = [1]} : vector<16xf32> to vector<1xf32>
      %squeeze3A_97 = vector.extract %slice3A_96[0] : f32 from vector<1xf32>
      %add3A_98 = arith.addf %add3A_95, %squeeze3A_97 : f32
      %slice3A_99 = vector.extract_strided_slice %add3A_74 {offsets = [9], sizes = [1], strides = [1]} : vector<16xf32> to vector<1xf32>
      %squeeze3A_100 = vector.extract %slice3A_99[0] : f32 from vector<1xf32>
      %add3A_101 = arith.addf %add3A_98, %squeeze3A_100 : f32
      %slice3A_102 = vector.extract_strided_slice %add3A_74 {offsets = [10], sizes = [1], strides = [1]} : vector<16xf32> to vector<1xf32>
      %squeeze3A_103 = vector.extract %slice3A_102[0] : f32 from vector<1xf32>
      %add3A_104 = arith.addf %add3A_101, %squeeze3A_103 : f32
      %slice3A_105 = vector.extract_strided_slice %add3A_74 {offsets = [11], sizes = [1], strides = [1]} : vector<16xf32> to vector<1xf32>
      %squeeze3A_106 = vector.extract %slice3A_105[0] : f32 from vector<1xf32>
      %add3A_107 = arith.addf %add3A_104, %squeeze3A_106 : f32
      %slice3A_108 = vector.extract_strided_slice %add3A_74 {offsets = [12], sizes = [1], strides = [1]} : vector<16xf32> to vector<1xf32>
      %squeeze3A_109 = vector.extract %slice3A_108[0] : f32 from vector<1xf32>
      %add3A_110 = arith.addf %add3A_107, %squeeze3A_109 : f32
      %slice3A_111 = vector.extract_strided_slice %add3A_74 {offsets = [13], sizes = [1], strides = [1]} : vector<16xf32> to vector<1xf32>
      %squeeze3A_112 = vector.extract %slice3A_111[0] : f32 from vector<1xf32>
      %add3A_113 = arith.addf %add3A_110, %squeeze3A_112 : f32
      %slice3A_114 = vector.extract_strided_slice %add3A_74 {offsets = [14], sizes = [1], strides = [1]} : vector<16xf32> to vector<1xf32>
      %squeeze3A_115 = vector.extract %slice3A_114[0] : f32 from vector<1xf32>
      %add3A_116 = arith.addf %add3A_113, %squeeze3A_115 : f32
      %slice3A_117 = vector.extract_strided_slice %add3A_74 {offsets = [15], sizes = [1], strides = [1]} : vector<16xf32> to vector<1xf32>
      %squeeze3A_118 = vector.extract %slice3A_117[0] : f32 from vector<1xf32>
      %add3A_119 = arith.addf %add3A_116, %squeeze3A_118 : f32
      %mul3A_120 = arith.constant 6.10351563E-5 : f32
      %mul3A_121 = arith.mulf %add3A_119, %mul3A_120 : f32
      %broadcast_in_dim3A_122 = vector.broadcast %mul3A_121 : f32 to vector<16xf32>
      %swap3A_123 = arith.constant 0 : index
      %swap3A_124 = tpu.vector_load %arg7[%swap3A_123] {strides = array<i32>} : memref<16xf32, #tpu.memory_space<vmem>>, vector<16xf32>,
      %swap3A_125 = vector.shape_cast %swap3A_124 : vector<16xf32> to vector<16xf32>
      %swap3A_126 = vector.shape_cast %broadcast_in_dim3A_122 : vector<16xf32> to vector<16xf32>
      tpu.vector_store %arg7[%swap3A_123], %swap3A_126 {strides = array<i32>} : memref<16xf32, #tpu.memory_space<vmem>>, vector<16xf32>,
      "tpu.region"() ({
        %run_scoped3A = tpu.sem_alloc : memref<!tpu.dma_semaphore, #tpu.memory_space<semaphore_mem>>
        tpu.enqueue_dma source(%arg7 : memref<16xf32, #tpu.memory_space<vmem>>) target(%arg4 : memref<16xf32, #tpu.memory_space<hbm>>) target_semaphore(%run_scoped3A : memref<!tpu.dma_semaphore, #tpu.memory_space<semaphore_mem>>)
        tpu.wait_dma2 semaphore(%run_scoped3A : memref<!tpu.dma_semaphore, #tpu.memory_space<semaphore_mem>>) src(%arg7 : memref<16xf32, #tpu.memory_space<vmem>>) dst(%arg4 : memref<16xf32, #tpu.memory_space<hbm>>)
        tpu.yield
      }) : () -> ()
    } else {
    }
    return
  }
}

</mosaic_0001>

<sc_bundles>
// kernel: kernel.3.cloned.1.call-start
scs
__scs_entry_jumppad:
0x0: {  	(pc) =	sbr.rel $0x88, $3  }
0x1: {  	(tag) =	ssettag $0x0;
	lr =	simm.s32 $0x1  }
0x2: {  	[smem:$0x3F9F] =	sst lr;
	_ =	strace $0xD0000000  }
0x3: {  	_ = 	snop  }
0x4: {  	_ = 	snop  }
0x5: {  	_ = 	snop  }
0x6: {  	_ = 	snop  }
0x7: {  	_ = 	snop  }
__scs_overlays_trampoline_lowered:
0x8: {  	[smem:$0x3FAE] =	sst s0  }
0x9: {  	[smem:$0x3FAF] =	sst s1  }
0xa: {  	[smem:$0x3FB0] =	sst s2  }
0xb: {  	[smem:$0x3FB1] =	sst s3  }
0xc: {  	[smem:$0x3FB2] =	sst s4  }
0xd: {  	[smem:$0x3FB3] =	sst s5  }
0xe: {  	[smem:$0x3FB4] =	sst s6  }
0xf: {  	[smem:$0x3FB5] =	sst s7  }
0x10: {  	[smem:$0x3FB6] =	sst s8  }
0x11: {  	[smem:$0x3FB7] =	sst s9;
	s0 =	simm.s32 @!p0 $0x0  }
0x12: {  	s1 =	sld [smem:$0x3F9D];
	s0 =	simm.s32 @p0 $0x1  }
0x13: {  	[smem:$0x3FB8] =	sst s0;
	s0 =	simm.s32 @!p1 $0x0  }
0x14: {  	s2 =	sld [smem:$0x3F9C];
	s0 =	simm.s32 @p1 $0x1  }
0x15: {  	[smem:$0x3FB9] =	sst s0;
	s0 =	simm.s32 @!p2 $0x0  }
0x16: {  	s3 =	sld [smem:$0x3FDB];
	s0 =	simm.s32 @p2 $0x1  }
0x17: {  	s4 =	simm.s32 $0x1BF5;
	[smem:$0x3FBB] =	sst s0  }
0x18: {  	s0 =	sld [smem:$0x3F9E];
	_ =	swait.ge [sflag:s4], $0x0  }
0x19: {  	s7 =	sld [smem:$0x3F9F]  }
0x1a: {  	s8 =	sadd.s32 $0xFFFFE003, lr  }
0x1b: {  	s9 =	sadd.s32 $0xFFFFFEF7, lr;
	s5 =	simm.s32 $0xFFFFFFFF;
	p2 =	slt.u32 s8, $0xFFFFF086  }
0x1c: {  	p1 =	slt.u32 s9, $0xF7A;
	s5 =	simm.s32 @!p2 $0x0  }
0x1d: {  	s5 =	simm.s32 @p1 $0x1;
	p0 =	seq.s32 s7, s2  }
0x1e: {  	s7 =	smul.u32 @!p0 $0xF7A, s2;
	p2 =	seq.s32 @!p0 s5, $0x0  }
0x1f: {  	s9 =	smul.u32 $0xF7A, s1;
	s8 =	simm.s32 @!p0 $0x1BF5;
	p2 =	por !p2, p0  }
0x20: {  	[sflag:s8] =	ssyncset.s32 @!p0 $0xFFFFF086;
	s6 =	sadd.s32 @!p0 s3, s7;
	s7 =	simm.s32 @!p0 $0x108  }
0x21: {  	s3 =	sadd.s32 s3, s9;
	s6 =	sadd.s32 @!p0 $0x88, s6;
	s7 =	simm.s32 @p2 $0x1082  }
0x22: {  	[simem:s7], [sflag:s8] =	dma.local @!p0 [hbm:s6], $0xF7A  }
0x23: {  	s9 =	sor.u32 $0xD0000000, s2;
	s6 =	simm.s32 $0x108;
	_ =	swait.ge @!p0 [sflag:s8], $0x0  }
0x24: {  	s3 =	sadd.s32 $0x88, s3;
	s6 =	simm.s32 @!p1 $0x1082;
	[sflag:s4] =	ssyncset.s32 $0xFFFFF086  }
0x25: {  	[simem:s6], [sflag:s4] =	dma.local [hbm:s3], $0xF7A  }
0x26: {  	[smem:$0x3F9F] =	sst s1;
	(tag) =	ssettag s2;
	_ =	strace s9  }
0x27: {  	s1 =	sld [smem:$0x3FAF]  }
0x28: {  	s2 =	sld [smem:$0x3FB0]  }
0x29: {  	s4 =	sld [smem:$0x3FB2]  }
0x2a: {  	p0 =	seq.s32 s5, $0x0;
	s5 =	sld [smem:$0x3FB3]  }
0x2b: {  	s6 =	sld [smem:$0x3FB4]  }
0x2c: {  	s7 =	sld [smem:$0x3FB5]  }
0x2d: {  	s3 =	simm.s32 $0x108;
	s8 =	sld [smem:$0x3FB6]  }
0x2e: {  	s3 =	simm.s32 @!p0 $0x1082;
	s9 =	sld [smem:$0x3FB7]  }
0x2f: {  	lr =	sadd.s32 s0, s3;
	s0 =	sld [smem:$0x3FAE]  }
0x30: {  	s3 =	sld [smem:$0x3FB1]  }
0x31: {  	[smem:$0x3FBA] =	sst s10  }
0x32: {  	s10 =	sld [smem:$0x3FB8];
	_ =	sdelay $0x3  }
0x33: {  	p0 =	seq.s32 s10, $0x1;
	s10 =	sld [smem:$0x3FBA];
	_ =	sdelay $0x3  }
0x34: {  	[smem:$0x3FBA] =	sst s10  }
0x35: {  	s10 =	sld [smem:$0x3FB9];
	_ =	sdelay $0x3  }
0x36: {  	p1 =	seq.s32 s10, $0x1;
	s10 =	sld [smem:$0x3FBA];
	_ =	sdelay $0x3  }
0x37: {  	[smem:$0x3FBA] =	sst s10  }
0x38: {  	s10 =	sld [smem:$0x3FBB]  }
0x39: {  	_ = 	snop;
	(pc) =	sbr.ind lr, $3  }
0x3a: {  	_ = 	snop  }
0x3b: {  	_ = 	snop  }
0x3c: {  	p2 =	seq.s32 s10, $0x1;
	s10 =	sld [smem:$0x3FBA]  }
0x3d: {  	_ =	shalt  }
0x3e: {  	_ =	shalt  }
0x3f: {  	_ =	shalt  }
0x40: {  	_ =	shalt  }
0x41: {  	_ =	shalt  }
0x42: {  	_ =	shalt  }
0x43: {  	_ =	shalt  }
0x44: {  	_ =	shalt  }
0x45: {  	_ =	shalt  }
0x46: {  	_ =	shalt  }
0x47: {  	_ =	shalt  }
0x48: {  	_ =	shalt  }
0x49: {  	_ =	shalt  }
0x4a: {  	_ =	shalt  }
0x4b: {  	_ =	shalt  }
0x4c: {  	_ =	shalt  }
0x4d: {  	_ =	shalt  }
0x4e: {  	_ =	shalt  }
0x4f: {  	_ =	shalt  }
0x50: {  	_ =	shalt  }
0x51: {  	_ =	shalt  }
0x52: {  	_ =	shalt  }
0x53: {  	_ =	shalt  }
0x54: {  	_ =	shalt  }
0x55: {  	_ =	shalt  }
0x56: {  	_ =	shalt  }
0x57: {  	_ =	shalt  }
0x58: {  	_ =	shalt  }
0x59: {  	_ =	shalt  }
0x5a: {  	_ =	shalt  }
0x5b: {  	_ =	shalt  }
0x5c: {  	_ =	shalt  }
0x5d: {  	_ =	shalt  }
0x5e: {  	_ =	shalt  }
0x5f: {  	_ =	shalt  }
0x60: {  	_ =	shalt  }
0x61: {  	_ =	shalt  }
0x62: {  	_ =	shalt  }
0x63: {  	_ =	shalt  }
0x64: {  	_ =	shalt  }
0x65: {  	_ =	shalt  }
0x66: {  	_ =	shalt  }
0x67: {  	_ =	shalt  }
0x68: {  	_ =	shalt  }
0x69: {  	_ =	shalt  }
0x6a: {  	_ =	shalt  }
0x6b: {  	_ =	shalt  }
0x6c: {  	_ =	shalt  }
0x6d: {  	_ =	shalt  }
0x6e: {  	_ =	shalt  }
0x6f: {  	_ =	shalt  }
0x70: {  	_ =	shalt  }
0x71: {  	_ =	shalt  }
0x72: {  	_ =	shalt  }
0x73: {  	_ =	shalt  }
0x74: {  	_ =	shalt  }
0x75: {  	_ =	shalt  }
0x76: {  	_ =	shalt  }
0x77: {  	_ =	shalt  }
0x78: {  	_ =	shalt  }
0x79: {  	_ =	shalt  }
0x7a: {  	_ =	shalt  }
0x7b: {  	_ =	shalt  }
0x7c: {  	_ =	shalt  }
0x7d: {  	_ =	shalt  }
0x7e: {  	_ =	shalt  }
0x7f: {  	_ =	shalt  }
0x80: {  	_ =	shalt  }
0x81: {  	_ =	shalt  }
0x82: {  	_ =	shalt  }
0x83: {  	_ =	shalt  }
0x84: {  	_ =	shalt  }
0x85: {  	_ =	shalt  }
0x86: {  	_ =	shalt  }
0x87: {  	_ =	shalt  }
.Lfunc_end0:
.L_simem_size_0:
called_computation_lowered:
.L_overlay_start_0:
0x88: {  	s0 =	sld [smem:$0x3FD9]  }
0x89: {  	s1 =	sld [smem:$0x3FFE];
	_ =	sdelay $0x3  }
0x8a: {  	s0 =	sadd.s32 s1, s0  }
0x8b: {  	[smem:$0x3FC6] =	sst s0  }
0x8c: {  	_ = 	snop  }
0x8d: {  	s0 =	sld [smem:$0x3FC9]  }
0x8e: {  	s17 =	sld [smem:$0x3FC8]  }
0x8f: {  	s2 =	sld [smem:$0x3FD0];
	(tm) =	ssettm $0x1  }
0x90: {  	s3 =	sld [smem:$0x3FFB];
	_ =	sdelay $0x3  }
0x91: {  	_ =	strace s3  }
0x92: {  	s3 =	sld [smem:$0x3FFC];
	_ =	sdelay $0x3  }
0x93: {  	_ =	strace s3  }
0x94: {  	s3 =	sld [smem:$0x3FFD];
	_ =	sdelay $0x3  }
0x95: {  	_ =	strace s3  }
0x96: {  	_ =	strace $0x8FFFFFFF  }
0x97: {  	s18 =	sld [smem:$0x3FDB];
	_ =	sdelay $0x1  }
0x98: {  	s4 =	simm.s32 $_scs_section_size  }
0x99: {  	s5 =	simm.s32 $_size__tile_overlayer_lowered;
	s6 =	simm.s32 $_tile_overlayer_lowered  }
0x9a: {  	s21 =	simm.s32 $0x1BFF;
	s20 =	sshll.u32 s6, $0x1;
	s3 =	sadd.s32 s4, s18  }
0x9b: {  	s7 =	simm.s32 $0x0;
	s19 =	sshll.u32 s5, $0x1;
	s5 =	sadd.s32 s20, s3  }
0x9c: {  	[timem:s7], [sflag:s21] =	dma.local [hbm:s5], s19  }
0x9d: {  	_ =	swait.ge [sflag:s21], s19  }
0x9e: {  	s4 =	ssub.s32 $0x0, s19;
	[sflag:s21] =	ssyncset.done $0x0  }
0x9f: {  	[sflag:s21] =	ssyncadd.s32 s4;
	_ =	sdelay $0x1  }
0xa0: {  	s22 =	simm.s32 $0x1B8B  }
0xa1: {  	_ =	swait.ge [sflag:s22], $0x1  }
0xa2: {  	[sflag:s22] =	ssyncset.done $0x0  }
0xa3: {  	s23 =	simm.s32 $0x1B8E;
	[sflag:s22] =	ssyncadd.s32 $0xFFFFFFFF  }
0xa4: {  	s24 =	simm.s32 $execute0_lowered;
	[smem:$0x3FD2] =	sst s23  }
0xa5: {  	s4 =	sshll.u32 s24, $0x1;
	_ =	strace $0x80000046;
	[dreg:$0x1] =	wrdreg $0xFFFFFFFF  }
0xa6: {  	s25 =	simm.s32 $_size_execute0_lowered;
	s3 =	sadd.s32 s3, s4;
	[dreg:$0x0] =	wrdreg $0x0  }
0xa7: {  	s4 =	sshll.u32 s25, $0x1;
	[dreg:$0x2] =	wrdreg s3  }
0xa8: {  	[dreg:$0x3] =	wrdreg s4  }
0xa9: {  	[dreg:$0x4] =	wrdreg $0xC0  }
0xaa: {  	_ =	task [dreg:s7], $0x5FFFF  }
0xab: {  	[dreg:$0x1] =	wrdreg $0xFFFFFFFF  }
0xac: {  	[dreg:$0x0] =	wrdreg $0x60  }
0xad: {  	[dreg:$0x2] =	wrdreg s0  }
0xae: {  	[dreg:$0x3] =	wrdreg s17  }
0xaf: {  	[dreg:$0x4] =	wrdreg s2  }
0xb0: {  	[dreg:$0x5] =	wrdreg $0x8800  }
0xb1: {  	[dreg:$0x6] =	wrdreg $0x9  }
0xb2: {  	_ =	task.clear_ibuf [dreg:s7], $0x7FFFF;
	_ =	strace $0x90000046  }
0xb3: {  	s26 =	simm.s32 $0x9;
	_ =	strace $0x80000048  }
0xb4: {  	_ =	swait.ge [sflag:s26], $0x1  }
0xb5: {  	[sflag:s26] =	ssyncadd.s32 $0xFFFFFFFF  }
0xb6: {  	_ =	strace $0x90000048  }
0xb7: {  	_ =	sfence  }
0xb8: {  	s28 =	sld [smem:$0x0];
	_ =	sdelay $0x1  }
0xb9: {  	s29 =	srdreg.scid  }
0xba: {  	s30 =	sshll.u32 s29, $0xD;
	s31 =	sshrl.u32 s29, $0x2  }
0xbb: {  	s1 =	sand.u32 $0x1, s29;
	s2 =	sand.u32 $0x4000, s30;
	s0 =	sadd.s32 s31, s28  }
0xbc: {  	s1 =	sor.u32 s2, s1;
	s0 =	sshll.u32 s0, $0x11  }
0xbd: {  	s0 =	sor.u32 s0, s1  }
0xbe: {  	s0 =	sadd.s32 $0x8F2B, s0  }
0xbf: {  	[sflag:s0] =	ssyncadd.remote.s32 $0x1  }
0xc0: {  	_ =	sfence.sel $0xFFFF  }
0xc1: {  	[dreg:$0x0] =	wrdreg $0xFFFFFFFF;
	(pc) =	sbr.abs _section_cstart, $3  }
0xc2: {  	[dreg:$0x1] =	wrdreg $0xFFFFFFFF  }
0xc3: {  	_ =	task.clear_ibuf [dreg:s7], $0x2FFFF;
	_ =	strace $0x9FFFFFFF  }
0xc4: {  	(tm) =	ssettm $0x7FFFFFFF  }
0xc5: {  	_ =	shalt  }
tec
execute0_lowered:
.L_overlay_start_1:
0x0: {  	(tag) =	ssettag $0x1  }
0x1: {  	s4 =	rddreg [dreg:$0x0]  }
0x2: {  	s5 =	rddreg [dreg:$0x1]  }
0x3: {  	s1 =	rddreg [dreg:$0x2]  }
0x4: {  	s2 =	rddreg [dreg:$0x3]  }
0x5: {  	s0 =	rddreg [dreg:$0x4];
	s6 =	simm.s32 $0x0;
	s3 =	stileid.u32  }
0x6: {  	[smem:$0x7FF] =	sst s6;
	s7 =	sshll.u32 s3, $0x7  }
0x7: {  	s22 =	simm.s32 $0x1;
	_ =	strace $0x80000047;
	s4 =	sadd.s32 s4, s7  }
0x8: {  	[tilespmem:s6], [sflag:$0x1] =	stream.linear.gather [hbm4b:s4+s6], $0x400, $0x38;
	[tilespmem:$0x990] =	vst v63  }
0x9: {  	_ =	swait.ge [sflag:s22], $0x400  }
0xa: {  	[sflag:s22] =	ssyncset.done $0x0  }
0xb: {  	s23 =	simm.s32 $0x400;
	s5 =	sadd.s32 s5, s7;
	[sflag:s22] =	ssyncadd.s32 $0xFFFFFC00  }
0xc: {  	[tilespmem:s23], [sflag:$0x1] =	stream.linear.gather [hbm4b:s5+s6], $0x400, $0x38;
	[tilespmem:$0x990] =	vst v63  }
0xd: {  	_ =	swait.ge [sflag:s22], $0x400  }
0xe: {  	[sflag:s22] =	ssyncset.done $0x0  }
0xf: {  	s24 =	simm.s32 $0x0;
	[sflag:s22] =	ssyncadd.s32 $0xFFFFFC00  }
0x10: {  	v0 =	vld [tilespmem:s24+$0x0]  }
0x11: {  	v1 =	vld [tilespmem:s24+$0x400];
	_ =	sdelay $0x3  }
0x12: {  	v2 =	vadd.f32 $-2.000000030e-01, v0  }
0x13: {  	v3 =	vsub.f32 $5.000000000e-01, v0;
	vm0 =	veq.s32 v1, $0x1  }
0x14: {  	vm1 =	veq.s32 v1, $0x0;
	v0 =	vsel vm0, v2, v0  }
0x15: {  	s25 =	simm.s32 $0x10;
	v0 =	vsel vm1, v3, v0  }
0x16: {  	v1 =	vld [tilespmem:s25+$0x0];
	v13 =	vmul.f32 $2.000000000e+01, v0  }
0x17: {  	v0 =	vld [tilespmem:s25+$0x400]  }
0x18: {  	v2 =	vand.u32 $0x7FFFFFFF, v13  }
0x19: {  	v2 =	vsub.f32 $0.0e+00, v2;
	_ =	sdelay $0x1  }
0x1a: {  	v3 =	vadd.f32 $-2.000000030e-01, v1;
	v2 =	vmul.f32 $1.442695020e+00, v2  }
0x1b: {  	v4 =	vsub.f32 $5.000000000e-01, v1;
	vm6 =	veq.s32 v0, $0x1  }
0x1c: {  	vm7 =	veq.s32 v0, $0x0;
	v0 =	vsel vm6, v3, v1;
	(erf) = vpow2.f32 v2  }
0x1d: {  	v0 =	vsel vm7, v4, v0  }
0x1e: {  	s26 =	simm.s32 $0x20;
	v2 =	vmul.f32 $2.000000000e+01, v0  }
0x1f: {  	v0 =	vld [tilespmem:s26+$0x0]  }
0x20: {  	v1 =	vld [tilespmem:s26+$0x400];
	v3 =	vand.u32 $0x7FFFFFFF, v2  }
0x21: {  	v3 =	vsub.f32 $0.0e+00, v3;
	_ =	sdelay $0x1  }
0x22: {  	v3 =	vmul.f32 $1.442695020e+00, v3  }
0x23: {  	v4 =	vadd.f32 $-2.000000030e-01, v0  }
0x24: {  	vm8 =	veq.s32 v1, $0x1;
	v5 =	vsub.f32 $5.000000000e-01, v0;
	v6 =	vpop (erf);
	(erf) = vpow2.f32 v3  }
0x25: {  	vm9 =	veq.s32 v1, $0x0;
	v0 =	vsel vm8, v4, v0;
	v1 =	vadd.f32 $2.000000000e+00, v6  }
0x26: {  	s28 =	simm.s32 $0x30;
	v0 =	vsel vm9, v5, v0  }
0x27: {  	v3 =	vld [tilespmem:s28+$0x400];
	v0 =	vmul.f32 $2.000000000e+01, v0;
	(erf) = vrcp.f32 v1  }
0x28: {  	v1 =	vld [tilespmem:s28+$0x0]  }
0x29: {  	v4 =	vand.u32 $0x7FFFFFFF, v0  }
0x2a: {  	v4 =	vsub.f32 $0.0e+00, v4;
	_ =	sdelay $0x1  }
0x2b: {  	v4 =	vmul.f32 $1.442695020e+00, v4  }
0x2c: {  	vm10 =	veq.s32 v3, $0x1;
	v5 =	vadd.f32 $-2.000000030e-01, v1;
	v8 =	vpop (erf)  }
0x2d: {  	v7 =	vsub.f32 $5.000000000e-01, v1;
	(erf) = vpow2.f32 v4;
	v4 =	vadd.f32 $2.000000000e+00, v8  }
0x2e: {  	vm11 =	veq.s32 v3, $0x0;
	v1 =	vsel vm10, v5, v1  }
0x2f: {  	s29 =	simm.s32 $0x40;
	v1 =	vsel vm11, v7, v1;
	v3 =	vpop (erf);
	(erf) = vrcp.f32 v4  }
0x30: {  	v4 =	vld [tilespmem:s29+$0x0];
	v1 =	vmul.f32 $2.000000000e+01, v1;
	v6 =	vmul.f32 v3, v6;
	_ =	sdelay $0x1  }
0x31: {  	v3 =	vld [tilespmem:s29+$0x400];
	v5 =	vand.u32 $0x7FFFFFFF, v1;
	v10 =	vmul.f32 v6, v6  }
0x32: {  	v5 =	vsub.f32 $0.0e+00, v5  }
0x33: {  	v7 =	vmul.f32 $1.111111120e-01, v10  }
0x34: {  	v9 =	vadd.f32 $-2.000000030e-01, v4;
	v5 =	vmul.f32 $1.442695020e+00, v5  }
0x35: {  	v11 =	vsub.f32 $5.000000000e-01, v4;
	v12 =	vpop (erf);
	v7 =	vadd.f32 $1.428571490e-01, v7  }
0x36: {  	vm12 =	veq.s32 v3, $0x1;
	(erf) = vpow2.f32 v5;
	v5 =	vadd.f32 $2.000000000e+00, v12  }
0x37: {  	s30 =	simm.s32 $0x50;
	vm13 =	veq.s32 v3, $0x0;
	v3 =	vsel vm12, v9, v4;
	v15 =	vmul.f32 v7, v10  }
0x38: {  	v4 =	vld [tilespmem:s30+$0x0];
	v3 =	vsel vm13, v11, v3;
	v9 =	vpop (erf);
	(erf) = vrcp.f32 v5  }
0x39: {  	v14 =	vld [tilespmem:s30+$0x400];
	v3 =	vmul.f32 $2.000000000e+01, v3;
	v7 =	vmul.f32 v9, v8;
	v5 =	vadd.f32 $2.000000030e-01, v15;
	_ =	sdelay $0x1  }
0x3a: {  	v9 =	vand.u32 $0x7FFFFFFF, v3;
	v8 =	vmul.f32 v7, v7;
	v5 =	vmul.f32 v5, v10  }
0x3b: {  	v9 =	vsub.f32 $0.0e+00, v9  }
0x3c: {  	v11 =	vadd.f32 $-2.000000030e-01, v4;
	v15 =	vmul.f32 $1.111111120e-01, v8;
	v16 =	vadd.f32 $3.333333430e-01, v5  }
0x3d: {  	vm14 =	veq.s32 v14, $0x0;
	vm15 =	veq.s32 v14, $0x1;
	v17 =	vsub.f32 $5.000000000e-01, v4  }
0x3e: {  	v14 =	vmul.f32 $1.442695020e+00, v9;
	v4 =	vsel vm15, v11, v4;
	v11 =	vadd.f32 $1.428571490e-01, v15  }
0x3f: {  	s31 =	simm.s32 $0x60;
	v4 =	vsel vm14, v17, v4;
	v9 =	vpop (erf);
	v10 =	vmul.f32 v16, v10  }
0x40: {  	(erf) = vpow2.f32 v14;
	v14 =	vadd.f32 $2.000000000e+00, v9;
	v15 =	vmul.f32 v11, v8;
	v11 =	vld [tilespmem:s31+$0x400];
	v16 =	vpop (erf)  }
0x41: {  	v17 =	vadd.f32 v6, v6;
	v10 =	vadd.f32 $1.000000000e+00, v10;
	v6 =	vmul.f32 v16, v12;
	v12 =	vld [tilespmem:s31+$0x0]  }
0x42: {  	v4 =	vmul.f32 $2.000000000e+01, v4;
	(erf) = vrcp.f32 v14  }
0x43: {  	v14 =	vadd.f32 $2.000000030e-01, v15;
	v10 =	vmul.f32 v10, v17  }
0x44: {  	s4 =	simm.s32 $0x1C0;
	v13 =	vmax.f32 v13, $0.0e+00;
	v5 =	vimm.f32 $0.0e+00;
	v15 =	vand.u32 $0x7FFFFFFF, v4  }
.LBB2_1:
0x45: {  	p0 =	sne.s32 s4, $0xFC0;
	v16 =	vmul.f32 v6, v6;
	v14 =	vmul.f32 v14, v8;
	v10 =	vadd.f32 v10, v13;
	v17 =	vmovc v3  }
0x46: {  	vm0 =	veq.s32 v11, $0x0;
	v15 =	vsub.f32 $0.0e+00, v15;
	v3 =	vmovc v4;
	v18 =	vadd.f32 $-2.000000030e-01, v12  }
0x47: {  	v4 =	vmul.f32 $1.111111120e-01, v16;
	v14 =	vadd.f32 $3.333333430e-01, v14;
	v5 =	vadd.f32 v10, v5  }
0x48: {  	vm1 =	veq.s32 v11, $0x1;
	v10 =	vsub.f32 $5.000000000e-01, v12;
	v15 =	vmul.f32 $1.442695020e+00, v15  }
0x49: {  	s5 =	sshra.s32 s4, $0x2;
	v12 =	vsel vm1, v18, v12;
	v13 =	vpop (erf);
	v4 =	vadd.f32 $1.428571490e-01, v4;
	v14 =	vmul.f32 v14, v8  }
.Ltmp0:
0x4a: {  	v10 =	vsel vm0, v10, v12;
	v8 =	vmovc v16;
	v11 =	vld [tilespmem:s5+$0x400];
	(erf) = vpow2.f32 v15;
	v15 =	vadd.f32 $2.000000000e+00, v13;
	(pc) =	sbr.rel @p0 .LBB2_1-.Ltmp0, $4  }
0x4b: {  	v19 =	vadd.f32 v7, v7;
	v12 =	vld [tilespmem:s5+$0x0];
	v16 =	vpop (erf);
	v18 =	vmul.f32 v4, v8;
	v20 =	vadd.f32 $1.000000000e+00, v14  }
0x4c: {  	v7 =	vmov v6;
	v4 =	vmul.f32 $2.000000000e+01, v10;
	(erf) = vrcp.f32 v15  }
0x4d: {  	v6 =	vmul.f32 v16, v9;
	v9 =	vmovc v13;
	v14 =	vadd.f32 $2.000000030e-01, v18;
	v10 =	vmul.f32 v20, v19  }
0x4e: {  	s4 =	sadd.s32 $0x40, s4;
	v13 =	vmax.f32 v2, $0.0e+00;
	v2 =	vmovc v0;
	v0 =	vmovc v1;
	v1 =	vmov v17;
	v15 =	vand.u32 $0x7FFFFFFF, v4  }
0x4f: {  	_ = 	snop  }
0x50: {  	v16 =	vadd.f32 $-2.000000030e-01, v12  }
0x51: {  	vm0 =	veq.s32 v11, $0x1;
	v17 =	vsub.f32 $5.000000000e-01, v12  }
0x52: {  	vm1 =	veq.s32 v11, $0x0;
	v60 =	vsel vm0, v16, v12  }
0x53: {  	v11 =	vsel vm1, v17, v60  }
0x54: {  	v11 =	vmul.f32 $2.000000000e+01, v11  }
0x55: {  	v61 =	vsub.f32 $0.0e+00, v15  }
0x56: {  	v62 =	vand.u32 $0x7FFFFFFF, v11  }
0x57: {  	v12 =	vmul.f32 $1.442695020e+00, v61;
	v63 =	vpop (erf);
	v15 =	vsub.f32 $0.0e+00, v62  }
0x58: {  	v22 =	vadd.f32 $2.000000000e+00, v63  }
0x59: {  	(erf) = vpow2.f32 v12;
	v23 =	vmul.f32 $1.442695020e+00, v15  }
0x5a: {  	(erf) = vrcp.f32 v22  }
0x5b: {  	(erf) = vpow2.f32 v23;
	_ =	sdelay $0x5  }
0x5c: {  	v24 =	vpop (erf)  }
0x5d: {  	v25 =	vpop (erf)  }
0x5e: {  	v26 =	vadd.f32 $2.000000000e+00, v25;
	v18 =	vpop (erf)  }
0x5f: {  	v19 =	vpop (erf)  }
0x60: {  	(erf) = vrcp.f32 v26;
	v27 =	vadd.f32 $2.000000000e+00, v19;
	_ =	sdelay $0x1  }
0x61: {  	v20 =	vmul.f32 v6, v6;
	(erf) = vrcp.f32 v27;
	_ =	sdelay $0x1  }
0x62: {  	v21 =	vmul.f32 $1.111111120e-01, v20  }
0x63: {  	v9 =	vmul.f32 v24, v9  }
0x64: {  	v14 =	vmul.f32 v14, v8;
	v7 =	vadd.f32 v7, v7;
	v28 =	vadd.f32 $1.428571490e-01, v21  }
0x65: {  	v10 =	vadd.f32 v10, v13;
	v31 =	vmul.f32 v9, v9;
	v16 =	vmul.f32 v18, v63  }
0x66: {  	v2 =	vmax.f32 v2, $0.0e+00;
	v14 =	vadd.f32 $3.333333430e-01, v14;
	v30 =	vmul.f32 v28, v20  }
0x67: {  	v45 =	vadd.f32 v6, v6;
	v32 =	vmul.f32 $1.111111120e-01, v31;
	v18 =	vmul.f32 v16, v16;
	v33 =	vpop (erf)  }
0x68: {  	v5 =	vadd.f32 v10, v5;
	v29 =	vmul.f32 v14, v8;
	v34 =	vmul.f32 v33, v25  }
0x69: {  	v12 =	vadd.f32 $2.000000030e-01, v30;
	v35 =	vadd.f32 $1.428571490e-01, v32;
	v36 =	vmul.f32 $1.111111120e-01, v18;
	v37 =	vpop (erf)  }
0x6a: {  	v8 =	vadd.f32 $1.000000000e+00, v29;
	v38 =	vmul.f32 v34, v34;
	v17 =	vmul.f32 v37, v19  }
0x6b: {  	v9 =	vadd.f32 v9, v9;
	v12 =	vmul.f32 v12, v20;
	v13 =	vmul.f32 v35, v31  }
0x6c: {  	v15 =	vadd.f32 $1.428571490e-01, v36;
	v39 =	vmul.f32 $1.111111120e-01, v38;
	v40 =	vmul.f32 v17, v17  }
0x6d: {  	v7 =	vmul.f32 v8, v7;
	v12 =	vadd.f32 $3.333333430e-01, v12;
	v41 =	vadd.f32 $2.000000030e-01, v13  }
0x6e: {  	v42 =	vmul.f32 v15, v18;
	v43 =	vadd.f32 $1.428571490e-01, v39;
	v44 =	vmul.f32 $1.111111120e-01, v40  }
0x6f: {  	v2 =	vadd.f32 v7, v2;
	v12 =	vmul.f32 v12, v20;
	v7 =	vmul.f32 v41, v31  }
0x70: {  	v13 =	vadd.f32 $2.000000030e-01, v42;
	v15 =	vmul.f32 v43, v38;
	v19 =	vadd.f32 $1.428571490e-01, v44  }
0x71: {  	v0 =	vmax.f32 v0, $0.0e+00;
	v12 =	vadd.f32 $1.000000000e+00, v12;
	v46 =	vadd.f32 $3.333333430e-01, v7  }
0x72: {  	v47 =	vmul.f32 v13, v18;
	v48 =	vadd.f32 $2.000000030e-01, v15;
	v49 =	vmul.f32 v19, v40  }
0x73: {  	v2 =	vadd.f32 v2, v5;
	v6 =	vmul.f32 v12, v45;
	v5 =	vmul.f32 v46, v31  }
0x74: {  	v7 =	vadd.f32 $3.333333430e-01, v47;
	v50 =	vmul.f32 v48, v38;
	v51 =	vadd.f32 $2.000000030e-01, v49  }
0x75: {  	v1 =	vmax.f32 v1, $0.0e+00;
	v0 =	vadd.f32 v6, v0;
	v5 =	vadd.f32 $1.000000000e+00, v5  }
0x76: {  	v7 =	vmul.f32 v7, v18;
	v52 =	vadd.f32 $3.333333430e-01, v50;
	v53 =	vmul.f32 v51, v40  }
0x77: {  	v54 =	vadd.f32 v16, v16;
	v0 =	vadd.f32 v0, v2;
	v5 =	vmul.f32 v5, v9  }
0x78: {  	v7 =	vadd.f32 $1.000000000e+00, v7;
	v2 =	vmul.f32 v52, v38;
	v6 =	vadd.f32 $3.333333430e-01, v53  }
0x79: {  	v1 =	vadd.f32 v5, v1;
	v56 =	vadd.f32 v34, v34  }
0x7a: {  	v55 =	vmul.f32 v7, v54;
	v2 =	vadd.f32 $1.000000000e+00, v2;
	v6 =	vmul.f32 v6, v40  }
0x7b: {  	v3 =	vmax.f32 v3, $0.0e+00;
	v0 =	vadd.f32 v1, v0;
	v58 =	vadd.f32 v17, v17  }
0x7c: {  	v57 =	vadd.f32 v55, v3;
	v2 =	vmul.f32 v2, v56;
	v59 =	vadd.f32 $1.000000000e+00, v6  }
0x7d: {  	v4 =	vmax.f32 v4, $0.0e+00  }
0x7e: {  	v0 =	vadd.f32 v57, v0;
	v60 =	vadd.f32 v2, v4;
	v61 =	vmul.f32 v59, v58  }
0x7f: {  	v62 =	vmax.f32 v11, $0.0e+00  }
0x80: {  	v0 =	vadd.f32 v60, v0;
	v63 =	vadd.f32 v61, v62;
	_ =	sdelay $0x1  }
0x81: {  	v0 =	vadd.f32 v63, v0  }
0x82: {  	s4 =	sshll.u32 s3, $0x4  }
0x83: {  	s5 =	simm.s32 $0x800;
	s4 =	sadd.s32 s4, s2;
	[tilespmem:$0x800] =	vst v0  }
0x84: {  	[spmem:s4] =	stream.linear.scatter [tilespmem:s5], [sflag:$0x1], $0x10, $0x38;
	[tilespmem:$0x990] =	vst v63  }
0x85: {  	s4 =	simm.s32 $0x1  }
0x86: {  	_ =	swait.ge [sflag:s4], $0x10  }
0x87: {  	[sflag:s4] =	ssyncset.done $0x0  }
0x88: {  	[sflag:s4] =	ssyncadd.s32 $0xFFFFFFF0  }
0x89: {  	p0 =	sne.s32 s3, $0x0;
	[bflag:$0x0] =	sbarrier.arrive $0xFFFF  }
0x8a: {  	_ =	sfence.sel @p0 $0x180000  }
0x8b: {  	[bflag:$0x0] =	sbarrier.arrive @p0 $0xFFFF  }
0x8c: {  	_ =	strace @p0 $0x90000047  }
0x8d: {  	[bflag:$0x2] =	sbarrier.arrive @p0 $0xFFFF  }
0x8e: {  	_ =	shalt @p0  }
.LBB2_3:
0x8f: {  	s3 =	simm.s32 $0x890  }
0x90: {  	[tilespmem:s3], [sflag:$0x1] =	stream.linear.gather [spmem:s2], $0x100, $0x38;
	[tilespmem:$0x990] =	vst v63  }
0x91: {  	_ =	swait.ge [sflag:s4], $0x100  }
0x92: {  	[sflag:s4] =	ssyncset.done $0x0  }
0x93: {  	[sflag:s4] =	ssyncadd.s32 $0xFFFFFF00  }
0x94: {  	v0 =	vld [tilespmem:$0x890]  }
0x95: {  	v1 =	vld [tilespmem:$0x8A0];
	_ =	sdelay $0x1  }
0x96: {  	v2 =	vld [tilespmem:$0x8B0];
	_ =	sdelay $0x1  }
0x97: {  	v3 =	vld [tilespmem:$0x8C0]  }
0x98: {  	v0 =	vadd.f32 v1, v0  }
0x99: {  	v51 =	vld [tilespmem:$0x8D0]  }
0x9a: {  	v0 =	vadd.f32 v2, v0  }
0x9b: {  	v52 =	vld [tilespmem:$0x8E0]  }
0x9c: {  	v0 =	vadd.f32 v3, v0  }
0x9d: {  	v53 =	vld [tilespmem:$0x8F0]  }
0x9e: {  	v0 =	vadd.f32 v51, v0  }
0x9f: {  	v54 =	vld [tilespmem:$0x900]  }
0xa0: {  	v0 =	vadd.f32 v52, v0  }
0xa1: {  	v55 =	vld [tilespmem:$0x910]  }
0xa2: {  	v0 =	vadd.f32 v53, v0  }
0xa3: {  	v56 =	vld [tilespmem:$0x920]  }
0xa4: {  	v0 =	vadd.f32 v54, v0  }
0xa5: {  	v57 =	vld [tilespmem:$0x930]  }
0xa6: {  	v0 =	vadd.f32 v55, v0  }
0xa7: {  	v58 =	vld [tilespmem:$0x940]  }
0xa8: {  	v0 =	vadd.f32 v56, v0  }
0xa9: {  	v59 =	vld [tilespmem:$0x950]  }
0xaa: {  	v0 =	vadd.f32 v57, v0  }
0xab: {  	v60 =	vld [tilespmem:$0x960]  }
0xac: {  	v0 =	vadd.f32 v58, v0  }
0xad: {  	v61 =	vld [tilespmem:$0x970]  }
0xae: {  	v0 =	vadd.f32 v59, v0  }
0xaf: {  	v62 =	vld [tilespmem:$0x980]  }
0xb0: {  	v0 =	vadd.f32 v60, v0;
	_ =	sdelay $0x1  }
0xb1: {  	v0 =	vadd.f32 v61, v0;
	_ =	sdelay $0x1  }
0xb2: {  	v0 =	vadd.f32 v62, v0;
	_ =	sdelay $0x1  }
0xb3: {  	(v2sf) =	vpush v0, $0x0  }
0xb4: {  	(v2sf) =	vpush v0, $0x1;
	_ =	sdelay $0x1  }
0xb5: {  	(v2sf) =	vpush v0, $0x2;
	_ =	sdelay $0x1  }
0xb6: {  	(v2sf) =	vpush v0, $0x3;
	_ =	sdelay $0x1  }
0xb7: {  	(v2sf) =	vpush v0, $0x4;
	_ =	sdelay $0x1  }
0xb8: {  	(v2sf) =	vpush v0, $0x5;
	_ =	sdelay $0x1  }
0xb9: {  	(v2sf) =	vpush v0, $0x6;
	_ =	sdelay $0x1  }
0xba: {  	(v2sf) =	vpush v0, $0x7;
	_ =	sdelay $0x1  }
0xbb: {  	s14 =	spop (v2sf);
	(v2sf) =	vpush v0, $0x8  }
0xbc: {  	s15 =	spop (v2sf)  }
0xbd: {  	(v2sf) =	vpush v0, $0x9;
	s2 =	sadd.f32 s15, s14  }
0xbe: {  	s16 =	spop (v2sf)  }
0xbf: {  	(v2sf) =	vpush v0, $0xA;
	s2 =	sadd.f32 s2, s16  }
0xc0: {  	s17 =	spop (v2sf)  }
0xc1: {  	(v2sf) =	vpush v0, $0xB;
	s2 =	sadd.f32 s2, s17  }
0xc2: {  	s18 =	spop (v2sf)  }
0xc3: {  	(v2sf) =	vpush v0, $0xC;
	s2 =	sadd.f32 s2, s18  }
0xc4: {  	s19 =	spop (v2sf)  }
0xc5: {  	(v2sf) =	vpush v0, $0xD;
	s2 =	sadd.f32 s2, s19  }
0xc6: {  	s20 =	spop (v2sf)  }
0xc7: {  	(v2sf) =	vpush v0, $0xE;
	s2 =	sadd.f32 s2, s20  }
0xc8: {  	s21 =	spop (v2sf)  }
0xc9: {  	(v2sf) =	vpush v0, $0xF;
	s2 =	sadd.f32 s2, s21  }
0xca: {  	s22 =	spop (v2sf)  }
0xcb: {  	s2 =	sadd.f32 s2, s22  }
0xcc: {  	s23 =	spop (v2sf)  }
0xcd: {  	s2 =	sadd.f32 s2, s23  }
0xce: {  	s24 =	spop (v2sf)  }
0xcf: {  	s2 =	sadd.f32 s2, s24  }
0xd0: {  	s25 =	spop (v2sf)  }
0xd1: {  	s2 =	sadd.f32 s2, s25  }
0xd2: {  	s26 =	spop (v2sf)  }
0xd3: {  	s2 =	sadd.f32 s2, s26  }
0xd4: {  	s28 =	spop (v2sf)  }
0xd5: {  	s2 =	sadd.f32 s2, s28  }
0xd6: {  	s29 =	spop (v2sf)  }
0xd7: {  	s2 =	sadd.f32 s2, s29  }
0xd8: {  	s30 =	spop (v2sf)  }
0xd9: {  	s2 =	sadd.f32 s2, s30;
	_ =	sdelay $0x1  }
0xda: {  	s2 =	smul.f32 $6.103515630e-05, s2;
	_ =	sdelay $0x1  }
0xdb: {  	v63 =	vmov s2  }
0xdc: {  	s31 =	simm.s32 $0x0;
	[tilespmem:$0x800] =	vst v63  }
0xdd: {  	[hbm4b:s1+s31] =	stream.linear.scatter [tilespmem:s5], [sflag:$0x1], $0x80, $0x38;
	[tilespmem:$0x990] =	vst v63  }
0xde: {  	_ =	swait.ge [sflag:s4], $0x80  }
0xdf: {  	[sflag:s4] =	ssyncset.done $0x0  }
0xe0: {  	[sflag:s4] =	ssyncadd.s32 $0xFFFFFF80  }
0xe1: {  	_ =	sfence.sel $0x180000  }
0xe2: {  	[bflag:$0x0] =	sbarrier.arrive $0xFFFF  }
0xe3: {  	_ =	strace $0x90000047  }
0xe4: {  	s0 =	sadd.s32 $0x100000, s0;
	[bflag:$0x2] =	sbarrier.arrive $0xFFFF  }
0xe5: {  	[sflag:s0] =	ssyncadd.tile.s32 $0x1;
	_ =	shalt  }
.Lfunc_end2:
_tile_overlayer_lowered:
.L_overlay_start_2:
0xe6: {  	(tag) =	ssettag $0x2  }
0xe7: {  	s0 =	rddreg [dreg:$0x0];
	s2 =	stileid.u32  }
0xe8: {  	s1 =	rddreg [dreg:$0x1];
	p0 =	sne.s32 s2, $0x0  }
0xe9: {  	s3 =	rddreg [dreg:$0x2];
	[bflag:$0x3] =	sbarrier.arrive $0xFFFF;
	s2 =	simm.s32 @!p0 $0x1C01  }
0xea: {  	[timem:s3], [sflag:s2] =	dma.local @!p0 [hbm:s0], s1  }
0xeb: {  	s0 =	simm.s32 @!p0 $0x1  }
0xec: {  	_ =	swait.ge @!p0 [sflag:s0], s1  }
0xed: {  	s1 =	ssub.s32 @!p0 $0x0, s1;
	[sflag:s0] =	ssyncset.done @!p0 $0x0  }
0xee: {  	[sflag:s0] =	ssyncadd.s32 @!p0 s1  }
0xef: {  	[bflag:$0x3] =	sbarrier.arrive $0xFFFF  }
0xf0: {  	_ =	shalt  }

</sc_bundles>
